<compile_context>
chip_gen: v7x
topology: tpu7x:2x2x1
jax: 0.10.2.dev20260603
libtpu: 0.0.44.dev20260713+nightly
codegen_flags: <defaults>
</compile_context>

<pallas_src>
import functools

import jax
import jax.numpy as jnp
from jax import lax
from jax.experimental import pallas as pl
from jax.experimental.pallas import tpu as pltpu
from jax.experimental.pallas import tpu_sc as plsc

_B, _CB, _R, _NA, _D = 32, 32, 64, 8, 4096
_AR = _NA * _R
_DT = 2048
_NP = _NA // 2


@functools.cache
def _make_sc_count():
    mesh = plsc.VectorSubcoreMesh(core_axis_name="c", subcore_axis_name="s", num_cores=1)
    return functools.partial(
        pl.kernel,
        out_type=jax.ShapeDtypeStruct((_B, _AR), jnp.float32),
        mesh=mesh,
        scratch_types=[
            pltpu.VMEM((_CB * _R,), jnp.int32),
            pltpu.VMEM((_CB,), jnp.int32),
            pltpu.VMEM((_B, _AR), jnp.float32),
        ],
        compiler_params=pltpu.CompilerParams(needs_layout_passes=False),
    )(_sc_count_body)


def _sc_count_body(xids_hbm, wids_hbm, zeros_hbm, out_hbm, xids_v, wids_v, c_v):
    cid = lax.axis_index("c")
    sid = lax.axis_index("s")

    @pl.when(jnp.logical_and(cid == 0, sid == 0))
    def _():
        pltpu.sync_copy(xids_hbm, xids_v)
        pltpu.sync_copy(wids_hbm, wids_v)
        pltpu.sync_copy(zeros_hbm, c_v)
        lane = lax.broadcasted_iota(jnp.int32, (16,), 0)
        ones = jnp.ones((16,), jnp.float32)

        def body(i, carry):
            b = xids_v[pl.ds(i * 16, 16)]
            c = lax.shift_right_logical(i, 2)
            a = plsc.load_gather(wids_v, [jnp.full((16,), c, jnp.int32)])
            col = a * _R + (i & 3) * 16 + lane
            plsc.addupdate_scatter(c_v, [b, col], ones)
            return carry

        lax.fori_loop(0, (_CB * _R) // 16, body, 0)
        pltpu.sync_copy(c_v, out_hbm)


def _mm1_body(x_ref, a_ref, m_ref):
    for t in range(2):
        m_ref[t] = jnp.dot(x_ref[...], a_ref[t],
                           preferred_element_type=jnp.float32)


def _stage1(x2d, a_packed):
    return pl.pallas_call(
        _mm1_body,
        grid=(_NP // 2,),
        in_specs=[
            pl.BlockSpec((_B, _D), lambda p: (0, 0)),
            pl.BlockSpec((2, _D, 2 * _R), lambda p: (p, 0, 0)),
        ],
        out_specs=pl.BlockSpec((2, _B, 2 * _R), lambda p: (p, 0, 0)),
        out_shape=jax.ShapeDtypeStruct((_NP, _B, 2 * _R), jnp.float32),
        compiler_params=pltpu.CompilerParams(
            allow_input_fusion=[False, True]),
    )(x2d, a_packed)


def _mm2_body(wids_ref, m_ref, c_ref, xids_ref, b3_ref, out_ref, w_scr):
    j = pl.program_id(0)

    @pl.when(j == 0)
    def _():
        gs = []
        for a in range(_NA):
            wa = wids_ref[a]
            pair = lax.shift_right_logical(wa, 1)
            mrow = m_ref[pl.ds(pair, 1)][0]
            brow = xids_ref[pl.ds(a * _R, _R)]
            msk = brow[None, :] == lax.broadcasted_iota(
                jnp.int32, (_B, _R), 0)
            sel = jnp.where(msk, 1.0, 0.0)
            sel2 = jnp.concatenate([sel, sel], axis=1)
            red = jnp.sum(mrow * sel2, axis=0, keepdims=True)
            gs.append(jnp.where((wa & 1) == 1, red[:, _R:], red[:, :_R]))
        gfull = jnp.concatenate(gs, axis=1)
        w_scr[...] = (c_ref[...] * gfull).astype(jnp.bfloat16)

    out_ref[...] = (2.0 * jnp.dot(
        w_scr[...], b3_ref[...],
        preferred_element_type=jnp.float32)).astype(jnp.bfloat16)


def _stage2(wids, M, C2d, xids, b2):
    return pl.pallas_call(
        _mm2_body,
        grid=(_D // _DT,),
        in_specs=[
            pl.BlockSpec(memory_space=pltpu.SMEM),
            pl.BlockSpec((_NP, _B, 2 * _R), lambda j: (0, 0, 0)),
            pl.BlockSpec((_B, _AR), lambda j: (0, 0)),
            pl.BlockSpec((_AR,), lambda j: (0,)),
            pl.BlockSpec((_AR, _DT), lambda j: (0, j)),
        ],
        out_specs=pl.BlockSpec((_B, _DT), lambda j: (0, j)),
        out_shape=jax.ShapeDtypeStruct((_B, _D), jnp.bfloat16),
        scratch_shapes=[pltpu.VMEM((_B, _AR), jnp.bfloat16)],
        compiler_params=pltpu.CompilerParams(
            allow_input_fusion=[False, False, False, False, True]),
    )(wids, M, C2d, xids, b2)


def kernel(x, lora_A, lora_B, xids, wids):
    x2d = x.reshape(_B, _D).astype(jnp.bfloat16)
    a_packed = lax.reshape(lora_A.reshape(_NP, 2, _D, _R),
                           (_NP, _D, 2 * _R),
                           dimensions=(0, 2, 1, 3)).astype(jnp.bfloat16)
    lora_Bb = lora_B.reshape(_AR, _D).astype(jnp.bfloat16)
    zeros = jnp.zeros((_B, _AR), jnp.float32)

    cmat = _make_sc_count()(xids, wids, zeros)
    M = _stage1(x2d, a_packed)
    out = _stage2(wids, M, cmat, xids, lora_Bb)
    return out.astype(jnp.float16).reshape(_B, 1, _D)

# --- scband reference (transcript-rebuilt; emitter-appended) ---
"""Pipeline reference for scband-combined-lora-59459527246478 (READ-ONLY COPY).

The authoritative reference and input builder live on the scoring server;
editing this copy changes nothing except your own understanding.
"""

import jax, jax.numpy as jnp
import numpy as np

B, CB, R, NA, D = 32, 32, 64, 8, 4096

def setup_inputs(seed: int = 0) -> dict:
    key = jax.random.key(seed)
    k0, k1, k2, k3, k4 = jax.random.split(key, 5)
    x = jax.random.normal(k0, (B, 1, D), dtype=jnp.float32).astype(jnp.float16)
    lora_A = (jax.random.normal(k1, (NA, D, R), dtype=jnp.float32) * 0.02).astype(jnp.float16)
    lora_B = (jax.random.normal(k2, (NA, R, D), dtype=jnp.float32) * 0.02).astype(jnp.float16)
    xids = jax.random.randint(k3, (CB * R,), 0, B, dtype=jnp.int32)
    wids = jax.random.randint(k4, (CB,), 0, NA, dtype=jnp.int32)
    return {"x": x, "lora_A": lora_A, "lora_B": lora_B, "xids": xids, "wids": wids}

def reference(x, lora_A, lora_B, xids, wids):
    # Combined multi-adapter LoRA (decode step, q_len=1):
    # stage 1 (take_matmul_combined): lv[cb, 0, r] = sum_k x[xids[cb*R+r], 0, k] * lora_A[wids[cb], k, r]
    # stage 2 (fused_take_matmul_multiply_combined): out[xids[cb*R+r], 0, :] += lv[wids[cb], 0, r] * lora_B[wids[cb], r, :]; out *= 2.0
    bid = xids.reshape(CB, R)                         # batch position per (combined entry, rank slot)
    A_sel = jnp.take(lora_A, wids, axis=0)            # [CB, D, R] gather adapter A weights
    x_g = x[bid, 0, :]                                # [CB, R, D] gather token activations per rank slot
    lv = jnp.einsum('crd,cdr->cr', x_g.astype(jnp.float32), A_sel.astype(jnp.float32))  # [CB, R]
    lv_sel = jnp.take(lv, wids, axis=0)               # faithful to lv[wids[v0]] indexing in the TIR kernel
    B_sel = jnp.take(lora_B, wids, axis=0).astype(jnp.float32)  # [CB, R, D]
    contrib = lv_sel[:, :, None] * B_sel              # [CB, R, D]
    out = jnp.zeros((B, 1, D), dtype=jnp.float32)
    out = out.at[bid.reshape(-1), 0, :].add(contrib.reshape(-1, D))  # scatter-add over rank slots
    out = out * jnp.float32(2.0)                      # T_multiply by 2.0
    return out.astype(jnp.float16)

if __name__ == "__main__":
    import jax
    _d = setup_inputs()
    print(jax.jit(kernel)(*tuple(_d.values())))

</pallas_src>

<mosaic_0001>
#map = affine_map<(d0, d1) -> (0)>
#map1 = affine_map<(d0, d1) -> (0, 0)>
module attributes {stable_mosaic.version = 14 : i64} {
  func.func @_sc_count_body(%arg0: i32, %arg1: i32, %arg2: memref<2048xi32, #tpu.memory_space<hbm>>, %arg3: memref<32xi32, #tpu.memory_space<hbm>>, %arg4: memref<32x512xf32, #tpu.memory_space<hbm>>, %arg5: memref<32x512xf32, #tpu.memory_space<hbm>>, %arg6: memref<2048xi32, #tpu.memory_space<vmem>>, %arg7: memref<32xi32, #tpu.memory_space<vmem>>, %arg8: memref<32x512xf32, #tpu.memory_space<vmem>>) attributes {dimension_semantics = [#tpu.dimension_semantics<core_parallel>, #tpu.dimension_semantics<subcore_parallel>], iteration_bounds = array<i64: 1, 16>, scalar_prefetch = 0 : i64, scratch_operands = 3 : i64, tpu.core_type = #tpu.core_type<sc_vector_subcore>, window_params = [{transform_indices = #map}, {transform_indices = #map}, {transform_indices = #map1}, {transform_indices = #map1}]} {
    %eq3A = arith.constant 0 : i32
    %eq3A_0 = arith.cmpi eq, %arg0, %eq3A : i32
    %eq3A_1 = arith.constant 0 : i32
    %eq3A_2 = arith.cmpi eq, %arg1, %eq3A_1 : i32
    %and3A = arith.andi %eq3A_0, %eq3A_2 : i1
    %convert_element_type3A = arith.extui %and3A : i1 to i32
    %cond3A = arith.constant 0 : i32
    %cond3A_3 = arith.cmpi ne, %convert_element_type3A, %cond3A : i32
    scf.if %cond3A_3 {
      "tpu.region"() ({
        %run_scoped3A = tpu.sem_alloc : memref<!tpu.dma_semaphore, #tpu.memory_space<semaphore_mem>>
        tpu.enqueue_dma source(%arg2 : memref<2048xi32, #tpu.memory_space<hbm>>) target(%arg6 : memref<2048xi32, #tpu.memory_space<vmem>>) target_semaphore(%run_scoped3A : memref<!tpu.dma_semaphore, #tpu.memory_space<semaphore_mem>>)
        tpu.wait_dma2 semaphore(%run_scoped3A : memref<!tpu.dma_semaphore, #tpu.memory_space<semaphore_mem>>) src(%arg2 : memref<2048xi32, #tpu.memory_space<hbm>>) dst(%arg6 : memref<2048xi32, #tpu.memory_space<vmem>>)
        tpu.yield
      }) : () -> ()
      "tpu.region"() ({
        %run_scoped3A = tpu.sem_alloc : memref<!tpu.dma_semaphore, #tpu.memory_space<semaphore_mem>>
        tpu.enqueue_dma source(%arg3 : memref<32xi32, #tpu.memory_space<hbm>>) target(%arg7 : memref<32xi32, #tpu.memory_space<vmem>>) target_semaphore(%run_scoped3A : memref<!tpu.dma_semaphore, #tpu.memory_space<semaphore_mem>>)
        tpu.wait_dma2 semaphore(%run_scoped3A : memref<!tpu.dma_semaphore, #tpu.memory_space<semaphore_mem>>) src(%arg3 : memref<32xi32, #tpu.memory_space<hbm>>) dst(%arg7 : memref<32xi32, #tpu.memory_space<vmem>>)
        tpu.yield
      }) : () -> ()
      "tpu.region"() ({
        %run_scoped3A = tpu.sem_alloc : memref<!tpu.dma_semaphore, #tpu.memory_space<semaphore_mem>>
        tpu.enqueue_dma source(%arg4 : memref<32x512xf32, #tpu.memory_space<hbm>>) target(%arg8 : memref<32x512xf32, #tpu.memory_space<vmem>>) target_semaphore(%run_scoped3A : memref<!tpu.dma_semaphore, #tpu.memory_space<semaphore_mem>>)
        tpu.wait_dma2 semaphore(%run_scoped3A : memref<!tpu.dma_semaphore, #tpu.memory_space<semaphore_mem>>) src(%arg4 : memref<32x512xf32, #tpu.memory_space<hbm>>) dst(%arg8 : memref<32x512xf32, #tpu.memory_space<vmem>>)
        tpu.yield
      }) : () -> ()
      %iota3A = tpu.iota {dimensions = array<i32: 0>} : vector<16xi32>
      %broadcast_in_dim3A = arith.constant 1.000000e+00 : f32
      %broadcast_in_dim3A_4 = vector.broadcast %broadcast_in_dim3A : f32 to vector<16xf32>
      %scan3A = arith.constant 0 : i32
      %scan3A_5 = arith.constant 0 : i32
      %scan3A_6 = arith.constant 128 : i32
      %scan3A_7 = arith.addi %scan3A_5, %scan3A_6 : i32
      %scan3A_8 = arith.constant 1 : i32
      scf.for %scan3A_10 = %scan3A_5 to %scan3A_7 step %scan3A_8  : i32 {
        %mul3A = arith.constant 16 : i32
        %mul3A_11 = arith.muli %scan3A_10, %mul3A : i32
        %get3A = arith.index_cast %mul3A_11 : i32 to index
        %get3A_12 = tpu.vector_load %arg6[%get3A] {strides = array<i32>} : memref<2048xi32, #tpu.memory_space<vmem>>, vector<16xi32>,
        %shift_right_logical3A = arith.constant 2 : i32
        %shift_right_logical3A_13 = arith.shrui %scan3A_10, %shift_right_logical3A : i32
        %broadcast_in_dim3A_14 = vector.broadcast %shift_right_logical3A_13 : i32 to vector<16xi32>
        %gather3A = tpu.vector_load_idx %arg7[%broadcast_in_dim3A_14] : memref<32xi32, #tpu.memory_space<vmem>>[vector<16xi32>], vector<16xi32>,
        %mul3A_15 = arith.constant 64 : i32
        %mul3A_16 = vector.broadcast %mul3A_15 : i32 to vector<16xi32>
        %mul3A_17 = arith.muli %gather3A, %mul3A_16 : vector<16xi32>
        %and3A_18 = arith.constant 3 : i32
        %and3A_19 = arith.andi %scan3A_10, %and3A_18 : i32
        %mul3A_20 = arith.constant 16 : i32
        %mul3A_21 = arith.muli %and3A_19, %mul3A_20 : i32
        %add3A = vector.broadcast %mul3A_21 : i32 to vector<16xi32>
        %add3A_22 = arith.addi %mul3A_17, %add3A : vector<16xi32>
        %add3A_23 = arith.addi %add3A_22, %iota3A : vector<16xi32>
        tpu.vector_store_idx %arg8[%get3A_12, %add3A_23], %broadcast_in_dim3A_4 {add = true} : memref<32x512xf32, #tpu.memory_space<vmem>>[vector<16xi32>, vector<16xi32>], vector<16xf32>,
      }
      %scan3A_9 = arith.constant 128 : i32
      "tpu.region"() ({
        %run_scoped3A = tpu.sem_alloc : memref<!tpu.dma_semaphore, #tpu.memory_space<semaphore_mem>>
        tpu.enqueue_dma source(%arg8 : memref<32x512xf32, #tpu.memory_space<vmem>>) target(%arg5 : memref<32x512xf32, #tpu.memory_space<hbm>>) target_semaphore(%run_scoped3A : memref<!tpu.dma_semaphore, #tpu.memory_space<semaphore_mem>>)
        tpu.wait_dma2 semaphore(%run_scoped3A : memref<!tpu.dma_semaphore, #tpu.memory_space<semaphore_mem>>) src(%arg8 : memref<32x512xf32, #tpu.memory_space<vmem>>) dst(%arg5 : memref<32x512xf32, #tpu.memory_space<hbm>>)
        tpu.yield
      }) : () -> ()
    } else {
    }
    return
  }
}

module attributes {stable_mosaic.version = 14 : i64} {
  func.func @_mm1_body(%arg0: i32, %arg1: memref<32x4096xbf16, #tpu.memory_space<vmem>>, %arg2: memref<2x4096x128xbf16, #tpu.memory_space<vmem>>, %arg3: memref<2x32x128xf32, #tpu.memory_space<vmem>>) attributes {dimension_semantics = [#tpu.dimension_semantics<arbitrary>], iteration_bounds = array<i64: 2>, scalar_prefetch = 0 : i64, scratch_operands = 0 : i64, tpu.core_type = #tpu.core_type<tc>, window_params = [{pipeline_mode = #tpu.pipeline_mode<synchronous>, transform_indices = @transform_0, window_bounds = array<i64: 32, 4096>}, {transform_indices = @transform_1, window_bounds = array<i64: 2, 4096, 128>}, {transform_indices = @transform_2, window_bounds = array<i64: 2, 32, 128>}]} {
    %get3A = arith.constant 0 : index
    %get3A_0 = arith.constant 0 : index
    %get3A_1 = vector.load %arg1[%get3A, %get3A_0] : memref<32x4096xbf16, #tpu.memory_space<vmem>>, vector<32x4096xbf16>
    %get3A_2 = arith.constant 0 : index
    %get3A_3 = arith.constant 0 : index
    %get3A_4 = arith.constant 0 : index
    %get3A_5 = vector.load %arg2[%get3A_2, %get3A_3, %get3A_4] : memref<2x4096x128xbf16, #tpu.memory_space<vmem>>, vector<1x4096x128xbf16>
    %get3A_6 = vector.shape_cast %get3A_5 : vector<1x4096x128xbf16> to vector<4096x128xbf16>
    %dot_general3A = arith.constant dense<0.000000e+00> : vector<32x128xf32>
    %dot_general3A_7 = tpu.matmul %get3A_1, %get3A_6, %dot_general3A {dimension_numbers = #tpu.dot_dimension_numbers<[1], [0], [0], [1], [0, 0, 1, 1], [], []>, transpose_lhs_hint = false} : vector<32x4096xbf16>, vector<4096x128xbf16>, vector<32x128xf32> -> vector<32x128xf32>
    %swap3A = arith.constant 0 : index
    %swap3A_8 = arith.constant 0 : index
    %swap3A_9 = arith.constant 0 : index
    %swap3A_10 = vector.load %arg3[%swap3A, %swap3A_8, %swap3A_9] : memref<2x32x128xf32, #tpu.memory_space<vmem>>, vector<1x32x128xf32>
    %swap3A_11 = vector.shape_cast %swap3A_10 : vector<1x32x128xf32> to vector<32x128xf32>
    %swap3A_12 = vector.shape_cast %dot_general3A_7 : vector<32x128xf32> to vector<1x32x128xf32>
    tpu.vector_store %arg3[%swap3A, %swap3A_8, %swap3A_9], %swap3A_12 {strides = array<i32>} : memref<2x32x128xf32, #tpu.memory_space<vmem>>, vector<1x32x128xf32>,
    %get3A_13 = arith.constant 0 : index
    %get3A_14 = arith.constant 0 : index
    %get3A_15 = vector.load %arg1[%get3A_13, %get3A_14] : memref<32x4096xbf16, #tpu.memory_space<vmem>>, vector<32x4096xbf16>
    %get3A_16 = arith.constant 1 : index
    %get3A_17 = arith.constant 0 : index
    %get3A_18 = arith.constant 0 : index
    %get3A_19 = vector.load %arg2[%get3A_16, %get3A_17, %get3A_18] : memref<2x4096x128xbf16, #tpu.memory_space<vmem>>, vector<1x4096x128xbf16>
    %get3A_20 = vector.shape_cast %get3A_19 : vector<1x4096x128xbf16> to vector<4096x128xbf16>
    %dot_general3A_21 = arith.constant dense<0.000000e+00> : vector<32x128xf32>
    %dot_general3A_22 = tpu.matmul %get3A_15, %get3A_20, %dot_general3A_21 {dimension_numbers = #tpu.dot_dimension_numbers<[1], [0], [0], [1], [0, 0, 1, 1], [], []>, transpose_lhs_hint = false} : vector<32x4096xbf16>, vector<4096x128xbf16>, vector<32x128xf32> -> vector<32x128xf32>
    %swap3A_23 = arith.constant 1 : index
    %swap3A_24 = arith.constant 0 : index
    %swap3A_25 = arith.constant 0 : index
    %swap3A_26 = vector.load %arg3[%swap3A_23, %swap3A_24, %swap3A_25] : memref<2x32x128xf32, #tpu.memory_space<vmem>>, vector<1x32x128xf32>
    %swap3A_27 = vector.shape_cast %swap3A_26 : vector<1x32x128xf32> to vector<32x128xf32>
    %swap3A_28 = vector.shape_cast %dot_general3A_22 : vector<32x128xf32> to vector<1x32x128xf32>
    tpu.vector_store %arg3[%swap3A_23, %swap3A_24, %swap3A_25], %swap3A_28 {strides = array<i32>} : memref<2x32x128xf32, #tpu.memory_space<vmem>>, vector<1x32x128xf32>,
    return
  }
  func.func @transform_0(%arg0: i32) -> (i32, i32) {
    %c0_i32 = arith.constant 0 : i32
    %c0_i32_0 = arith.constant 0 : i32
    %c0_i32_1 = arith.constant 0 : i32
    return %c0_i32, %c0_i32_0 : i32, i32
  }
  func.func @transform_1(%arg0: i32) -> (i32, i32, i32) {
    %c0_i32 = arith.constant 0 : i32
    %c0_i32_0 = arith.constant 0 : i32
    %c0_i32_1 = arith.constant 0 : i32
    return %arg0, %c0_i32, %c0_i32_0 : i32, i32, i32
  }
  func.func @transform_2(%arg0: i32) -> (i32, i32, i32) {
    %c0_i32 = arith.constant 0 : i32
    %c0_i32_0 = arith.constant 0 : i32
    %c0_i32_1 = arith.constant 0 : i32
    return %arg0, %c0_i32, %c0_i32_0 : i32, i32, i32
  }
}

module attributes {stable_mosaic.version = 14 : i64} {
  func.func @_mm2_body(%arg0: i32, %arg1: memref<32xi32, #tpu.memory_space<smem>>, %arg2: memref<4x32x128xf32, #tpu.memory_space<vmem>>, %arg3: memref<32x512xf32, #tpu.memory_space<vmem>>, %arg4: memref<512xi32, #tpu.memory_space<vmem>>, %arg5: memref<512x2048xbf16, #tpu.memory_space<vmem>>, %arg6: memref<32x2048xbf16, #tpu.memory_space<vmem>>, %arg7: memref<32x512xbf16, #tpu.memory_space<vmem>>) attributes {dimension_semantics = [#tpu.dimension_semantics<arbitrary>], iteration_bounds = array<i64: 2>, scalar_prefetch = 0 : i64, scratch_operands = 1 : i64, tpu.core_type = #tpu.core_type<tc>, window_params = [{transform_indices = @transform_0, window_bounds = array<i64: 32>}, {pipeline_mode = #tpu.pipeline_mode<synchronous>, transform_indices = @transform_1, window_bounds = array<i64: 4, 32, 128>}, {pipeline_mode = #tpu.pipeline_mode<synchronous>, transform_indices = @transform_2, window_bounds = array<i64: 32, 512>}, {transform_indices = @transform_3, window_bounds = array<i64: 512>}, {transform_indices = @transform_4, window_bounds = array<i64: 512, 2048>}, {transform_indices = @transform_5, window_bounds = array<i64: 32, 2048>}]} {
    %eq3A = arith.constant 0 : i32
    %eq3A_0 = arith.cmpi eq, %arg0, %eq3A : i32
    %convert_element_type3A = arith.extui %eq3A_0 : i1 to i32
    %cond3A = arith.constant 0 : i32
    %cond3A_1 = arith.cmpi ne, %convert_element_type3A, %cond3A : i32
    scf.if %cond3A_1 {
      %get3A_13 = arith.constant 0 : index
      %get3A_14 = memref.load %arg1[%get3A_13] : memref<32xi32, #tpu.memory_space<smem>>
      %shift_right_logical3A = arith.constant 1 : i32
      %shift_right_logical3A_15 = arith.shrui %get3A_14, %shift_right_logical3A : i32
      %get3A_16 = arith.index_cast %shift_right_logical3A_15 : i32 to index
      %get3A_17 = arith.constant 0 : index
      %get3A_18 = arith.constant 0 : index
      %get3A_19 = vector.load %arg2[%get3A_16, %get3A_17, %get3A_18] : memref<4x32x128xf32, #tpu.memory_space<vmem>>, vector<1x32x128xf32>
      %squeeze3A = vector.shape_cast %get3A_19 : vector<1x32x128xf32> to vector<32x128xf32>
      %get3A_20 = arith.constant 0 : index
      %get3A_21 = vector.load %arg4[%get3A_20] : memref<512xi32, #tpu.memory_space<vmem>>, vector<64xi32>
      %broadcast_in_dim3A = vector.shape_cast %get3A_21 : vector<64xi32> to vector<1x64xi32>
      %iota3A = tpu.iota {dimensions = array<i32: 0>} : vector<32x64xi32>
      %eq3A_22 = vector.broadcast %broadcast_in_dim3A : vector<1x64xi32> to vector<32x64xi32>
      %eq3A_23 = arith.cmpi eq, %eq3A_22, %iota3A : vector<32x64xi32>
      %jit3A = arith.constant 1.000000e+00 : f32
      %jit3A_24 = arith.constant 0.000000e+00 : f32
      %broadcast_in_dim3A_25 = vector.broadcast %jit3A : f32 to vector<32x64xf32>
      %broadcast_in_dim3A_26 = vector.broadcast %jit3A_24 : f32 to vector<32x64xf32>
      %select_n3A = arith.select %eq3A_23, %broadcast_in_dim3A_25, %broadcast_in_dim3A_26 : vector<32x64xi1>, vector<32x64xf32>
      %concatenate3A = tpu.concatenate %select_n3A, %select_n3A in 1 : vector<32x64xf32>, vector<32x64xf32> -> vector<32x128xf32>
      %mul3A_27 = arith.mulf %squeeze3A, %concatenate3A : vector<32x128xf32>
      %reduce_sum3A = arith.constant dense<0.000000e+00> : vector<128xf32>
      %reduce_sum3A_28 = vector.multi_reduction <add>, %mul3A_27, %reduce_sum3A [0] : vector<32x128xf32> to vector<128xf32>
      %broadcast_in_dim3A_29 = vector.shape_cast %reduce_sum3A_28 : vector<128xf32> to vector<1x128xf32>
      %and3A = arith.constant 1 : i32
      %and3A_30 = arith.andi %get3A_14, %and3A : i32
      %eq3A_31 = arith.constant 1 : i32
      %eq3A_32 = arith.cmpi eq, %and3A_30, %eq3A_31 : i32
      %slice3A = vector.extract_strided_slice %broadcast_in_dim3A_29 {offsets = [0, 64], sizes = [1, 64], strides = [1, 1]} : vector<1x128xf32> to vector<1x64xf32>
      %slice3A_33 = vector.extract_strided_slice %broadcast_in_dim3A_29 {offsets = [0, 0], sizes = [1, 64], strides = [1, 1]} : vector<1x128xf32> to vector<1x64xf32>
      %select_n3A_34 = arith.select %eq3A_32, %slice3A, %slice3A_33 : vector<1x64xf32>
      %get3A_35 = arith.constant 1 : index
      %get3A_36 = memref.load %arg1[%get3A_35] : memref<32xi32, #tpu.memory_space<smem>>
      %shift_right_logical3A_37 = arith.constant 1 : i32
      %shift_right_logical3A_38 = arith.shrui %get3A_36, %shift_right_logical3A_37 : i32
      %get3A_39 = arith.index_cast %shift_right_logical3A_38 : i32 to index
      %get3A_40 = arith.constant 0 : index
      %get3A_41 = arith.constant 0 : index
      %get3A_42 = vector.load %arg2[%get3A_39, %get3A_40, %get3A_41] : memref<4x32x128xf32, #tpu.memory_space<vmem>>, vector<1x32x128xf32>
      %squeeze3A_43 = vector.shape_cast %get3A_42 : vector<1x32x128xf32> to vector<32x128xf32>
      %get3A_44 = arith.constant 64 : index
      %get3A_45 = vector.load %arg4[%get3A_44] : memref<512xi32, #tpu.memory_space<vmem>>, vector<64xi32>
      %broadcast_in_dim3A_46 = vector.shape_cast %get3A_45 : vector<64xi32> to vector<1x64xi32>
      %iota3A_47 = tpu.iota {dimensions = array<i32: 0>} : vector<32x64xi32>
      %eq3A_48 = vector.broadcast %broadcast_in_dim3A_46 : vector<1x64xi32> to vector<32x64xi32>
      %eq3A_49 = arith.cmpi eq, %eq3A_48, %iota3A_47 : vector<32x64xi32>
      %jit3A_50 = arith.constant 1.000000e+00 : f32
      %jit3A_51 = arith.constant 0.000000e+00 : f32
      %broadcast_in_dim3A_52 = vector.broadcast %jit3A_50 : f32 to vector<32x64xf32>
      %broadcast_in_dim3A_53 = vector.broadcast %jit3A_51 : f32 to vector<32x64xf32>
      %select_n3A_54 = arith.select %eq3A_49, %broadcast_in_dim3A_52, %broadcast_in_dim3A_53 : vector<32x64xi1>, vector<32x64xf32>
      %concatenate3A_55 = tpu.concatenate %select_n3A_54, %select_n3A_54 in 1 : vector<32x64xf32>, vector<32x64xf32> -> vector<32x128xf32>
      %mul3A_56 = arith.mulf %squeeze3A_43, %concatenate3A_55 : vector<32x128xf32>
      %reduce_sum3A_57 = arith.constant dense<0.000000e+00> : vector<128xf32>
      %reduce_sum3A_58 = vector.multi_reduction <add>, %mul3A_56, %reduce_sum3A_57 [0] : vector<32x128xf32> to vector<128xf32>
      %broadcast_in_dim3A_59 = vector.shape_cast %reduce_sum3A_58 : vector<128xf32> to vector<1x128xf32>
      %and3A_60 = arith.constant 1 : i32
      %and3A_61 = arith.andi %get3A_36, %and3A_60 : i32
      %eq3A_62 = arith.constant 1 : i32
      %eq3A_63 = arith.cmpi eq, %and3A_61, %eq3A_62 : i32
      %slice3A_64 = vector.extract_strided_slice %broadcast_in_dim3A_59 {offsets = [0, 64], sizes = [1, 64], strides = [1, 1]} : vector<1x128xf32> to vector<1x64xf32>
      %slice3A_65 = vector.extract_strided_slice %broadcast_in_dim3A_59 {offsets = [0, 0], sizes = [1, 64], strides = [1, 1]} : vector<1x128xf32> to vector<1x64xf32>
      %select_n3A_66 = arith.select %eq3A_63, %slice3A_64, %slice3A_65 : vector<1x64xf32>
      %get3A_67 = arith.constant 2 : index
      %get3A_68 = memref.load %arg1[%get3A_67] : memref<32xi32, #tpu.memory_space<smem>>
      %shift_right_logical3A_69 = arith.constant 1 : i32
      %shift_right_logical3A_70 = arith.shrui %get3A_68, %shift_right_logical3A_69 : i32
      %get3A_71 = arith.index_cast %shift_right_logical3A_70 : i32 to index
      %get3A_72 = arith.constant 0 : index
      %get3A_73 = arith.constant 0 : index
      %get3A_74 = vector.load %arg2[%get3A_71, %get3A_72, %get3A_73] : memref<4x32x128xf32, #tpu.memory_space<vmem>>, vector<1x32x128xf32>
      %squeeze3A_75 = vector.shape_cast %get3A_74 : vector<1x32x128xf32> to vector<32x128xf32>
      %get3A_76 = arith.constant 128 : index
      %get3A_77 = vector.load %arg4[%get3A_76] : memref<512xi32, #tpu.memory_space<vmem>>, vector<64xi32>
      %broadcast_in_dim3A_78 = vector.shape_cast %get3A_77 : vector<64xi32> to vector<1x64xi32>
      %iota3A_79 = tpu.iota {dimensions = array<i32: 0>} : vector<32x64xi32>
      %eq3A_80 = vector.broadcast %broadcast_in_dim3A_78 : vector<1x64xi32> to vector<32x64xi32>
      %eq3A_81 = arith.cmpi eq, %eq3A_80, %iota3A_79 : vector<32x64xi32>
      %jit3A_82 = arith.constant 1.000000e+00 : f32
      %jit3A_83 = arith.constant 0.000000e+00 : f32
      %broadcast_in_dim3A_84 = vector.broadcast %jit3A_82 : f32 to vector<32x64xf32>
      %broadcast_in_dim3A_85 = vector.broadcast %jit3A_83 : f32 to vector<32x64xf32>
      %select_n3A_86 = arith.select %eq3A_81, %broadcast_in_dim3A_84, %broadcast_in_dim3A_85 : vector<32x64xi1>, vector<32x64xf32>
      %concatenate3A_87 = tpu.concatenate %select_n3A_86, %select_n3A_86 in 1 : vector<32x64xf32>, vector<32x64xf32> -> vector<32x128xf32>
      %mul3A_88 = arith.mulf %squeeze3A_75, %concatenate3A_87 : vector<32x128xf32>
      %reduce_sum3A_89 = arith.constant dense<0.000000e+00> : vector<128xf32>
      %reduce_sum3A_90 = vector.multi_reduction <add>, %mul3A_88, %reduce_sum3A_89 [0] : vector<32x128xf32> to vector<128xf32>
      %broadcast_in_dim3A_91 = vector.shape_cast %reduce_sum3A_90 : vector<128xf32> to vector<1x128xf32>
      %and3A_92 = arith.constant 1 : i32
      %and3A_93 = arith.andi %get3A_68, %and3A_92 : i32
      %eq3A_94 = arith.constant 1 : i32
      %eq3A_95 = arith.cmpi eq, %and3A_93, %eq3A_94 : i32
      %slice3A_96 = vector.extract_strided_slice %broadcast_in_dim3A_91 {offsets = [0, 64], sizes = [1, 64], strides = [1, 1]} : vector<1x128xf32> to vector<1x64xf32>
      %slice3A_97 = vector.extract_strided_slice %broadcast_in_dim3A_91 {offsets = [0, 0], sizes = [1, 64], strides = [1, 1]} : vector<1x128xf32> to vector<1x64xf32>
      %select_n3A_98 = arith.select %eq3A_95, %slice3A_96, %slice3A_97 : vector<1x64xf32>
      %get3A_99 = arith.constant 3 : index
      %get3A_100 = memref.load %arg1[%get3A_99] : memref<32xi32, #tpu.memory_space<smem>>
      %shift_right_logical3A_101 = arith.constant 1 : i32
      %shift_right_logical3A_102 = arith.shrui %get3A_100, %shift_right_logical3A_101 : i32
      %get3A_103 = arith.index_cast %shift_right_logical3A_102 : i32 to index
      %get3A_104 = arith.constant 0 : index
      %get3A_105 = arith.constant 0 : index
      %get3A_106 = vector.load %arg2[%get3A_103, %get3A_104, %get3A_105] : memref<4x32x128xf32, #tpu.memory_space<vmem>>, vector<1x32x128xf32>
      %squeeze3A_107 = vector.shape_cast %get3A_106 : vector<1x32x128xf32> to vector<32x128xf32>
      %get3A_108 = arith.constant 192 : index
      %get3A_109 = vector.load %arg4[%get3A_108] : memref<512xi32, #tpu.memory_space<vmem>>, vector<64xi32>
      %broadcast_in_dim3A_110 = vector.shape_cast %get3A_109 : vector<64xi32> to vector<1x64xi32>
      %iota3A_111 = tpu.iota {dimensions = array<i32: 0>} : vector<32x64xi32>
      %eq3A_112 = vector.broadcast %broadcast_in_dim3A_110 : vector<1x64xi32> to vector<32x64xi32>
      %eq3A_113 = arith.cmpi eq, %eq3A_112, %iota3A_111 : vector<32x64xi32>
      %jit3A_114 = arith.constant 1.000000e+00 : f32
      %jit3A_115 = arith.constant 0.000000e+00 : f32
      %broadcast_in_dim3A_116 = vector.broadcast %jit3A_114 : f32 to vector<32x64xf32>
      %broadcast_in_dim3A_117 = vector.broadcast %jit3A_115 : f32 to vector<32x64xf32>
      %select_n3A_118 = arith.select %eq3A_113, %broadcast_in_dim3A_116, %broadcast_in_dim3A_117 : vector<32x64xi1>, vector<32x64xf32>
      %concatenate3A_119 = tpu.concatenate %select_n3A_118, %select_n3A_118 in 1 : vector<32x64xf32>, vector<32x64xf32> -> vector<32x128xf32>
      %mul3A_120 = arith.mulf %squeeze3A_107, %concatenate3A_119 : vector<32x128xf32>
      %reduce_sum3A_121 = arith.constant dense<0.000000e+00> : vector<128xf32>
      %reduce_sum3A_122 = vector.multi_reduction <add>, %mul3A_120, %reduce_sum3A_121 [0] : vector<32x128xf32> to vector<128xf32>
      %broadcast_in_dim3A_123 = vector.shape_cast %reduce_sum3A_122 : vector<128xf32> to vector<1x128xf32>
      %and3A_124 = arith.constant 1 : i32
      %and3A_125 = arith.andi %get3A_100, %and3A_124 : i32
      %eq3A_126 = arith.constant 1 : i32
      %eq3A_127 = arith.cmpi eq, %and3A_125, %eq3A_126 : i32
      %slice3A_128 = vector.extract_strided_slice %broadcast_in_dim3A_123 {offsets = [0, 64], sizes = [1, 64], strides = [1, 1]} : vector<1x128xf32> to vector<1x64xf32>
      %slice3A_129 = vector.extract_strided_slice %broadcast_in_dim3A_123 {offsets = [0, 0], sizes = [1, 64], strides = [1, 1]} : vector<1x128xf32> to vector<1x64xf32>
      %select_n3A_130 = arith.select %eq3A_127, %slice3A_128, %slice3A_129 : vector<1x64xf32>
      %get3A_131 = arith.constant 4 : index
      %get3A_132 = memref.load %arg1[%get3A_131] : memref<32xi32, #tpu.memory_space<smem>>
      %shift_right_logical3A_133 = arith.constant 1 : i32
      %shift_right_logical3A_134 = arith.shrui %get3A_132, %shift_right_logical3A_133 : i32
      %get3A_135 = arith.index_cast %shift_right_logical3A_134 : i32 to index
      %get3A_136 = arith.constant 0 : index
      %get3A_137 = arith.constant 0 : index
      %get3A_138 = vector.load %arg2[%get3A_135, %get3A_136, %get3A_137] : memref<4x32x128xf32, #tpu.memory_space<vmem>>, vector<1x32x128xf32>
      %squeeze3A_139 = vector.shape_cast %get3A_138 : vector<1x32x128xf32> to vector<32x128xf32>
      %get3A_140 = arith.constant 256 : index
      %get3A_141 = vector.load %arg4[%get3A_140] : memref<512xi32, #tpu.memory_space<vmem>>, vector<64xi32>
      %broadcast_in_dim3A_142 = vector.shape_cast %get3A_141 : vector<64xi32> to vector<1x64xi32>
      %iota3A_143 = tpu.iota {dimensions = array<i32: 0>} : vector<32x64xi32>
      %eq3A_144 = vector.broadcast %broadcast_in_dim3A_142 : vector<1x64xi32> to vector<32x64xi32>
      %eq3A_145 = arith.cmpi eq, %eq3A_144, %iota3A_143 : vector<32x64xi32>
      %jit3A_146 = arith.constant 1.000000e+00 : f32
      %jit3A_147 = arith.constant 0.000000e+00 : f32
      %broadcast_in_dim3A_148 = vector.broadcast %jit3A_146 : f32 to vector<32x64xf32>
      %broadcast_in_dim3A_149 = vector.broadcast %jit3A_147 : f32 to vector<32x64xf32>
      %select_n3A_150 = arith.select %eq3A_145, %broadcast_in_dim3A_148, %broadcast_in_dim3A_149 : vector<32x64xi1>, vector<32x64xf32>
      %concatenate3A_151 = tpu.concatenate %select_n3A_150, %select_n3A_150 in 1 : vector<32x64xf32>, vector<32x64xf32> -> vector<32x128xf32>
      %mul3A_152 = arith.mulf %squeeze3A_139, %concatenate3A_151 : vector<32x128xf32>
      %reduce_sum3A_153 = arith.constant dense<0.000000e+00> : vector<128xf32>
      %reduce_sum3A_154 = vector.multi_reduction <add>, %mul3A_152, %reduce_sum3A_153 [0] : vector<32x128xf32> to vector<128xf32>
      %broadcast_in_dim3A_155 = vector.shape_cast %reduce_sum3A_154 : vector<128xf32> to vector<1x128xf32>
      %and3A_156 = arith.constant 1 : i32
      %and3A_157 = arith.andi %get3A_132, %and3A_156 : i32
      %eq3A_158 = arith.constant 1 : i32
      %eq3A_159 = arith.cmpi eq, %and3A_157, %eq3A_158 : i32
      %slice3A_160 = vector.extract_strided_slice %broadcast_in_dim3A_155 {offsets = [0, 64], sizes = [1, 64], strides = [1, 1]} : vector<1x128xf32> to vector<1x64xf32>
      %slice3A_161 = vector.extract_strided_slice %broadcast_in_dim3A_155 {offsets = [0, 0], sizes = [1, 64], strides = [1, 1]} : vector<1x128xf32> to vector<1x64xf32>
      %select_n3A_162 = arith.select %eq3A_159, %slice3A_160, %slice3A_161 : vector<1x64xf32>
      %get3A_163 = arith.constant 5 : index
      %get3A_164 = memref.load %arg1[%get3A_163] : memref<32xi32, #tpu.memory_space<smem>>
      %shift_right_logical3A_165 = arith.constant 1 : i32
      %shift_right_logical3A_166 = arith.shrui %get3A_164, %shift_right_logical3A_165 : i32
      %get3A_167 = arith.index_cast %shift_right_logical3A_166 : i32 to index
      %get3A_168 = arith.constant 0 : index
      %get3A_169 = arith.constant 0 : index
      %get3A_170 = vector.load %arg2[%get3A_167, %get3A_168, %get3A_169] : memref<4x32x128xf32, #tpu.memory_space<vmem>>, vector<1x32x128xf32>
      %squeeze3A_171 = vector.shape_cast %get3A_170 : vector<1x32x128xf32> to vector<32x128xf32>
      %get3A_172 = arith.constant 320 : index
      %get3A_173 = vector.load %arg4[%get3A_172] : memref<512xi32, #tpu.memory_space<vmem>>, vector<64xi32>
      %broadcast_in_dim3A_174 = vector.shape_cast %get3A_173 : vector<64xi32> to vector<1x64xi32>
      %iota3A_175 = tpu.iota {dimensions = array<i32: 0>} : vector<32x64xi32>
      %eq3A_176 = vector.broadcast %broadcast_in_dim3A_174 : vector<1x64xi32> to vector<32x64xi32>
      %eq3A_177 = arith.cmpi eq, %eq3A_176, %iota3A_175 : vector<32x64xi32>
      %jit3A_178 = arith.constant 1.000000e+00 : f32
      %jit3A_179 = arith.constant 0.000000e+00 : f32
      %broadcast_in_dim3A_180 = vector.broadcast %jit3A_178 : f32 to vector<32x64xf32>
      %broadcast_in_dim3A_181 = vector.broadcast %jit3A_179 : f32 to vector<32x64xf32>
      %select_n3A_182 = arith.select %eq3A_177, %broadcast_in_dim3A_180, %broadcast_in_dim3A_181 : vector<32x64xi1>, vector<32x64xf32>
      %concatenate3A_183 = tpu.concatenate %select_n3A_182, %select_n3A_182 in 1 : vector<32x64xf32>, vector<32x64xf32> -> vector<32x128xf32>
      %mul3A_184 = arith.mulf %squeeze3A_171, %concatenate3A_183 : vector<32x128xf32>
      %reduce_sum3A_185 = arith.constant dense<0.000000e+00> : vector<128xf32>
      %reduce_sum3A_186 = vector.multi_reduction <add>, %mul3A_184, %reduce_sum3A_185 [0] : vector<32x128xf32> to vector<128xf32>
      %broadcast_in_dim3A_187 = vector.shape_cast %reduce_sum3A_186 : vector<128xf32> to vector<1x128xf32>
      %and3A_188 = arith.constant 1 : i32
      %and3A_189 = arith.andi %get3A_164, %and3A_188 : i32
      %eq3A_190 = arith.constant 1 : i32
      %eq3A_191 = arith.cmpi eq, %and3A_189, %eq3A_190 : i32
      %slice3A_192 = vector.extract_strided_slice %broadcast_in_dim3A_187 {offsets = [0, 64], sizes = [1, 64], strides = [1, 1]} : vector<1x128xf32> to vector<1x64xf32>
      %slice3A_193 = vector.extract_strided_slice %broadcast_in_dim3A_187 {offsets = [0, 0], sizes = [1, 64], strides = [1, 1]} : vector<1x128xf32> to vector<1x64xf32>
      %select_n3A_194 = arith.select %eq3A_191, %slice3A_192, %slice3A_193 : vector<1x64xf32>
      %get3A_195 = arith.constant 6 : index
      %get3A_196 = memref.load %arg1[%get3A_195] : memref<32xi32, #tpu.memory_space<smem>>
      %shift_right_logical3A_197 = arith.constant 1 : i32
      %shift_right_logical3A_198 = arith.shrui %get3A_196, %shift_right_logical3A_197 : i32
      %get3A_199 = arith.index_cast %shift_right_logical3A_198 : i32 to index
      %get3A_200 = arith.constant 0 : index
      %get3A_201 = arith.constant 0 : index
      %get3A_202 = vector.load %arg2[%get3A_199, %get3A_200, %get3A_201] : memref<4x32x128xf32, #tpu.memory_space<vmem>>, vector<1x32x128xf32>
      %squeeze3A_203 = vector.shape_cast %get3A_202 : vector<1x32x128xf32> to vector<32x128xf32>
      %get3A_204 = arith.constant 384 : index
      %get3A_205 = vector.load %arg4[%get3A_204] : memref<512xi32, #tpu.memory_space<vmem>>, vector<64xi32>
      %broadcast_in_dim3A_206 = vector.shape_cast %get3A_205 : vector<64xi32> to vector<1x64xi32>
      %iota3A_207 = tpu.iota {dimensions = array<i32: 0>} : vector<32x64xi32>
      %eq3A_208 = vector.broadcast %broadcast_in_dim3A_206 : vector<1x64xi32> to vector<32x64xi32>
      %eq3A_209 = arith.cmpi eq, %eq3A_208, %iota3A_207 : vector<32x64xi32>
      %jit3A_210 = arith.constant 1.000000e+00 : f32
      %jit3A_211 = arith.constant 0.000000e+00 : f32
      %broadcast_in_dim3A_212 = vector.broadcast %jit3A_210 : f32 to vector<32x64xf32>
      %broadcast_in_dim3A_213 = vector.broadcast %jit3A_211 : f32 to vector<32x64xf32>
      %select_n3A_214 = arith.select %eq3A_209, %broadcast_in_dim3A_212, %broadcast_in_dim3A_213 : vector<32x64xi1>, vector<32x64xf32>
      %concatenate3A_215 = tpu.concatenate %select_n3A_214, %select_n3A_214 in 1 : vector<32x64xf32>, vector<32x64xf32> -> vector<32x128xf32>
      %mul3A_216 = arith.mulf %squeeze3A_203, %concatenate3A_215 : vector<32x128xf32>
      %reduce_sum3A_217 = arith.constant dense<0.000000e+00> : vector<128xf32>
      %reduce_sum3A_218 = vector.multi_reduction <add>, %mul3A_216, %reduce_sum3A_217 [0] : vector<32x128xf32> to vector<128xf32>
      %broadcast_in_dim3A_219 = vector.shape_cast %reduce_sum3A_218 : vector<128xf32> to vector<1x128xf32>
      %and3A_220 = arith.constant 1 : i32
      %and3A_221 = arith.andi %get3A_196, %and3A_220 : i32
      %eq3A_222 = arith.constant 1 : i32
      %eq3A_223 = arith.cmpi eq, %and3A_221, %eq3A_222 : i32
      %slice3A_224 = vector.extract_strided_slice %broadcast_in_dim3A_219 {offsets = [0, 64], sizes = [1, 64], strides = [1, 1]} : vector<1x128xf32> to vector<1x64xf32>
      %slice3A_225 = vector.extract_strided_slice %broadcast_in_dim3A_219 {offsets = [0, 0], sizes = [1, 64], strides = [1, 1]} : vector<1x128xf32> to vector<1x64xf32>
      %select_n3A_226 = arith.select %eq3A_223, %slice3A_224, %slice3A_225 : vector<1x64xf32>
      %get3A_227 = arith.constant 7 : index
      %get3A_228 = memref.load %arg1[%get3A_227] : memref<32xi32, #tpu.memory_space<smem>>
      %shift_right_logical3A_229 = arith.constant 1 : i32
      %shift_right_logical3A_230 = arith.shrui %get3A_228, %shift_right_logical3A_229 : i32
      %get3A_231 = arith.index_cast %shift_right_logical3A_230 : i32 to index
      %get3A_232 = arith.constant 0 : index
      %get3A_233 = arith.constant 0 : index
      %get3A_234 = vector.load %arg2[%get3A_231, %get3A_232, %get3A_233] : memref<4x32x128xf32, #tpu.memory_space<vmem>>, vector<1x32x128xf32>
      %squeeze3A_235 = vector.shape_cast %get3A_234 : vector<1x32x128xf32> to vector<32x128xf32>
      %get3A_236 = arith.constant 448 : index
      %get3A_237 = vector.load %arg4[%get3A_236] : memref<512xi32, #tpu.memory_space<vmem>>, vector<64xi32>
      %broadcast_in_dim3A_238 = vector.shape_cast %get3A_237 : vector<64xi32> to vector<1x64xi32>
      %iota3A_239 = tpu.iota {dimensions = array<i32: 0>} : vector<32x64xi32>
      %eq3A_240 = vector.broadcast %broadcast_in_dim3A_238 : vector<1x64xi32> to vector<32x64xi32>
      %eq3A_241 = arith.cmpi eq, %eq3A_240, %iota3A_239 : vector<32x64xi32>
      %jit3A_242 = arith.constant 1.000000e+00 : f32
      %jit3A_243 = arith.constant 0.000000e+00 : f32
      %broadcast_in_dim3A_244 = vector.broadcast %jit3A_242 : f32 to vector<32x64xf32>
      %broadcast_in_dim3A_245 = vector.broadcast %jit3A_243 : f32 to vector<32x64xf32>
      %select_n3A_246 = arith.select %eq3A_241, %broadcast_in_dim3A_244, %broadcast_in_dim3A_245 : vector<32x64xi1>, vector<32x64xf32>
      %concatenate3A_247 = tpu.concatenate %select_n3A_246, %select_n3A_246 in 1 : vector<32x64xf32>, vector<32x64xf32> -> vector<32x128xf32>
      %mul3A_248 = arith.mulf %squeeze3A_235, %concatenate3A_247 : vector<32x128xf32>
      %reduce_sum3A_249 = arith.constant dense<0.000000e+00> : vector<128xf32>
      %reduce_sum3A_250 = vector.multi_reduction <add>, %mul3A_248, %reduce_sum3A_249 [0] : vector<32x128xf32> to vector<128xf32>
      %broadcast_in_dim3A_251 = vector.shape_cast %reduce_sum3A_250 : vector<128xf32> to vector<1x128xf32>
      %and3A_252 = arith.constant 1 : i32
      %and3A_253 = arith.andi %get3A_228, %and3A_252 : i32
      %eq3A_254 = arith.constant 1 : i32
      %eq3A_255 = arith.cmpi eq, %and3A_253, %eq3A_254 : i32
      %slice3A_256 = vector.extract_strided_slice %broadcast_in_dim3A_251 {offsets = [0, 64], sizes = [1, 64], strides = [1, 1]} : vector<1x128xf32> to vector<1x64xf32>
      %slice3A_257 = vector.extract_strided_slice %broadcast_in_dim3A_251 {offsets = [0, 0], sizes = [1, 64], strides = [1, 1]} : vector<1x128xf32> to vector<1x64xf32>
      %select_n3A_258 = arith.select %eq3A_255, %slice3A_256, %slice3A_257 : vector<1x64xf32>
      %concatenate3A_259 = tpu.concatenate %select_n3A_34, %select_n3A_66, %select_n3A_98, %select_n3A_130, %select_n3A_162, %select_n3A_194, %select_n3A_226, %select_n3A_258 in 1 : vector<1x64xf32>, vector<1x64xf32>, vector<1x64xf32>, vector<1x64xf32>, vector<1x64xf32>, vector<1x64xf32>, vector<1x64xf32>, vector<1x64xf32> -> vector<1x512xf32>
      %get3A_260 = arith.constant 0 : index
      %get3A_261 = arith.constant 0 : index
      %get3A_262 = vector.load %arg3[%get3A_260, %get3A_261] : memref<32x512xf32, #tpu.memory_space<vmem>>, vector<32x512xf32>
      %mul3A_263 = vector.broadcast %concatenate3A_259 : vector<1x512xf32> to vector<32x512xf32>
      %mul3A_264 = arith.mulf %get3A_262, %mul3A_263 : vector<32x512xf32>
      %convert_element_type3A_265 = arith.truncf %mul3A_264 : vector<32x512xf32> to vector<32x512xbf16>
      %swap3A_266 = arith.constant 0 : index
      %swap3A_267 = arith.constant 0 : index
      %swap3A_268 = vector.load %arg7[%swap3A_266, %swap3A_267] : memref<32x512xbf16, #tpu.memory_space<vmem>>, vector<32x512xbf16>
      tpu.vector_store %arg7[%swap3A_266, %swap3A_267], %convert_element_type3A_265 {strides = array<i32>} : memref<32x512xbf16, #tpu.memory_space<vmem>>, vector<32x512xbf16>,
    } else {
    }
    %get3A = arith.constant 0 : index
    %get3A_2 = arith.constant 0 : index
    %get3A_3 = vector.load %arg7[%get3A, %get3A_2] : memref<32x512xbf16, #tpu.memory_space<vmem>>, vector<32x512xbf16>
    %get3A_4 = arith.constant 0 : index
    %get3A_5 = arith.constant 0 : index
    %get3A_6 = vector.load %arg5[%get3A_4, %get3A_5] : memref<512x2048xbf16, #tpu.memory_space<vmem>>, vector<512x2048xbf16>
    %dot_general3A = arith.constant dense<0.000000e+00> : vector<32x2048xf32>
    %dot_general3A_7 = tpu.matmul %get3A_3, %get3A_6, %dot_general3A {dimension_numbers = #tpu.dot_dimension_numbers<[1], [0], [0], [1], [0, 0, 1, 1], [], []>, transpose_lhs_hint = false} : vector<32x512xbf16>, vector<512x2048xbf16>, vector<32x2048xf32> -> vector<32x2048xf32>
    %mul3A = arith.constant 2.000000e+00 : f32
    %mul3A_8 = vector.broadcast %mul3A : f32 to vector<32x2048xf32>
    %mul3A_9 = arith.mulf %mul3A_8, %dot_general3A_7 : vector<32x2048xf32>
    %convert_element_type3A_10 = arith.truncf %mul3A_9 : vector<32x2048xf32> to vector<32x2048xbf16>
    %swap3A = arith.constant 0 : index
    %swap3A_11 = arith.constant 0 : index
    %swap3A_12 = vector.load %arg6[%swap3A, %swap3A_11] : memref<32x2048xbf16, #tpu.memory_space<vmem>>, vector<32x2048xbf16>
    tpu.vector_store %arg6[%swap3A, %swap3A_11], %convert_element_type3A_10 {strides = array<i32>} : memref<32x2048xbf16, #tpu.memory_space<vmem>>, vector<32x2048xbf16>,
    return
  }
  func.func @transform_0(%arg0: i32) -> i32 {
    %c0_i32 = arith.constant 0 : i32
    %c0_i32_0 = arith.constant 0 : i32
    return %c0_i32 : i32
  }
  func.func @transform_1(%arg0: i32) -> (i32, i32, i32) {
    %c0_i32 = arith.constant 0 : i32
    %c0_i32_0 = arith.constant 0 : i32
    %c0_i32_1 = arith.constant 0 : i32
    %c0_i32_2 = arith.constant 0 : i32
    return %c0_i32, %c0_i32_0, %c0_i32_1 : i32, i32, i32
  }
  func.func @transform_2(%arg0: i32) -> (i32, i32) {
    %c0_i32 = arith.constant 0 : i32
    %c0_i32_0 = arith.constant 0 : i32
    %c0_i32_1 = arith.constant 0 : i32
    return %c0_i32, %c0_i32_0 : i32, i32
  }
  func.func @transform_3(%arg0: i32) -> i32 {
    %c0_i32 = arith.constant 0 : i32
    %c0_i32_0 = arith.constant 0 : i32
    return %c0_i32 : i32
  }
  func.func @transform_4(%arg0: i32) -> (i32, i32) {
    %c0_i32 = arith.constant 0 : i32
    %c0_i32_0 = arith.constant 0 : i32
    return %c0_i32, %arg0 : i32, i32
  }
  func.func @transform_5(%arg0: i32) -> (i32, i32) {
    %c0_i32 = arith.constant 0 : i32
    %c0_i32_0 = arith.constant 0 : i32
    return %c0_i32, %arg0 : i32, i32
  }
}

</mosaic_0001>

<sc_bundles>
// kernel: kernel.5.cloned.1.call-start
scs
__scs_entry_jumppad:
0x0: {  	(pc) =	sbr.rel $0x88, $3  }
0x1: {  	(tag) =	ssettag $0x0;
	lr =	simm.s32 $0x1  }
0x2: {  	[smem:$0x3F9C] =	sst lr;
	_ =	strace $0xD0000000  }
0x3: {  	_ = 	snop  }
0x4: {  	_ = 	snop  }
0x5: {  	_ = 	snop  }
0x6: {  	_ = 	snop  }
0x7: {  	_ = 	snop  }
__scs_overlays_trampoline_lowered:
0x8: {  	[smem:$0x3FAB] =	sst s0  }
0x9: {  	[smem:$0x3FAC] =	sst s1  }
0xa: {  	[smem:$0x3FAD] =	sst s2  }
0xb: {  	[smem:$0x3FAE] =	sst s3  }
0xc: {  	[smem:$0x3FAF] =	sst s4  }
0xd: {  	[smem:$0x3FB0] =	sst s5  }
0xe: {  	[smem:$0x3FB1] =	sst s6  }
0xf: {  	[smem:$0x3FB2] =	sst s7  }
0x10: {  	[smem:$0x3FB3] =	sst s8  }
0x11: {  	[smem:$0x3FB4] =	sst s9;
	s0 =	simm.s32 @!p0 $0x0  }
0x12: {  	s1 =	sld [smem:$0x3F9A];
	s0 =	simm.s32 @p0 $0x1  }
0x13: {  	[smem:$0x3FB5] =	sst s0;
	s0 =	simm.s32 @!p1 $0x0  }
0x14: {  	s2 =	sld [smem:$0x3F99];
	s0 =	simm.s32 @p1 $0x1  }
0x15: {  	[smem:$0x3FB6] =	sst s0;
	s0 =	simm.s32 @!p2 $0x0  }
0x16: {  	s3 =	sld [smem:$0x3FDB];
	s0 =	simm.s32 @p2 $0x1  }
0x17: {  	s4 =	simm.s32 $0x1BF5;
	[smem:$0x3FB8] =	sst s0  }
0x18: {  	s0 =	sld [smem:$0x3F9B];
	_ =	swait.ge [sflag:s4], $0x0  }
0x19: {  	s7 =	sld [smem:$0x3F9C]  }
0x1a: {  	s8 =	sadd.s32 $0xFFFFE003, lr  }
0x1b: {  	s9 =	sadd.s32 $0xFFFFFEF7, lr;
	s5 =	simm.s32 $0xFFFFFFFF;
	p2 =	slt.u32 s8, $0xFFFFF086  }
0x1c: {  	p1 =	slt.u32 s9, $0xF7A;
	s5 =	simm.s32 @!p2 $0x0  }
0x1d: {  	s5 =	simm.s32 @p1 $0x1;
	p0 =	seq.s32 s7, s2  }
0x1e: {  	s7 =	smul.u32 @!p0 $0xF7A, s2;
	p2 =	seq.s32 @!p0 s5, $0x0  }
0x1f: {  	s9 =	smul.u32 $0xF7A, s1;
	s8 =	simm.s32 @!p0 $0x1BF5;
	p2 =	por !p2, p0  }
0x20: {  	[sflag:s8] =	ssyncset.s32 @!p0 $0xFFFFF086;
	s6 =	sadd.s32 @!p0 s3, s7;
	s7 =	simm.s32 @!p0 $0x108  }
0x21: {  	s3 =	sadd.s32 s3, s9;
	s6 =	sadd.s32 @!p0 $0x88, s6;
	s7 =	simm.s32 @p2 $0x1082  }
0x22: {  	[simem:s7], [sflag:s8] =	dma.local @!p0 [hbm:s6], $0xF7A  }
0x23: {  	s9 =	sor.u32 $0xD0000000, s2;
	s6 =	simm.s32 $0x108;
	_ =	swait.ge @!p0 [sflag:s8], $0x0  }
0x24: {  	s3 =	sadd.s32 $0x88, s3;
	s6 =	simm.s32 @!p1 $0x1082;
	[sflag:s4] =	ssyncset.s32 $0xFFFFF086  }
0x25: {  	[simem:s6], [sflag:s4] =	dma.local [hbm:s3], $0xF7A  }
0x26: {  	[smem:$0x3F9C] =	sst s1;
	(tag) =	ssettag s2;
	_ =	strace s9  }
0x27: {  	s1 =	sld [smem:$0x3FAC]  }
0x28: {  	s2 =	sld [smem:$0x3FAD]  }
0x29: {  	s4 =	sld [smem:$0x3FAF]  }
0x2a: {  	p0 =	seq.s32 s5, $0x0;
	s5 =	sld [smem:$0x3FB0]  }
0x2b: {  	s6 =	sld [smem:$0x3FB1]  }
0x2c: {  	s7 =	sld [smem:$0x3FB2]  }
0x2d: {  	s3 =	simm.s32 $0x108;
	s8 =	sld [smem:$0x3FB3]  }
0x2e: {  	s3 =	simm.s32 @!p0 $0x1082;
	s9 =	sld [smem:$0x3FB4]  }
0x2f: {  	lr =	sadd.s32 s0, s3;
	s0 =	sld [smem:$0x3FAB]  }
0x30: {  	s3 =	sld [smem:$0x3FAE]  }
0x31: {  	[smem:$0x3FB7] =	sst s10  }
0x32: {  	s10 =	sld [smem:$0x3FB5];
	_ =	sdelay $0x3  }
0x33: {  	p0 =	seq.s32 s10, $0x1;
	s10 =	sld [smem:$0x3FB7];
	_ =	sdelay $0x3  }
0x34: {  	[smem:$0x3FB7] =	sst s10  }
0x35: {  	s10 =	sld [smem:$0x3FB6];
	_ =	sdelay $0x3  }
0x36: {  	p1 =	seq.s32 s10, $0x1;
	s10 =	sld [smem:$0x3FB7];
	_ =	sdelay $0x3  }
0x37: {  	[smem:$0x3FB7] =	sst s10  }
0x38: {  	s10 =	sld [smem:$0x3FB8]  }
0x39: {  	_ = 	snop;
	(pc) =	sbr.ind lr, $3  }
0x3a: {  	_ = 	snop  }
0x3b: {  	_ = 	snop  }
0x3c: {  	p2 =	seq.s32 s10, $0x1;
	s10 =	sld [smem:$0x3FB7]  }
0x3d: {  	_ =	shalt  }
0x3e: {  	_ =	shalt  }
0x3f: {  	_ =	shalt  }
0x40: {  	_ =	shalt  }
0x41: {  	_ =	shalt  }
0x42: {  	_ =	shalt  }
0x43: {  	_ =	shalt  }
0x44: {  	_ =	shalt  }
0x45: {  	_ =	shalt  }
0x46: {  	_ =	shalt  }
0x47: {  	_ =	shalt  }
0x48: {  	_ =	shalt  }
0x49: {  	_ =	shalt  }
0x4a: {  	_ =	shalt  }
0x4b: {  	_ =	shalt  }
0x4c: {  	_ =	shalt  }
0x4d: {  	_ =	shalt  }
0x4e: {  	_ =	shalt  }
0x4f: {  	_ =	shalt  }
0x50: {  	_ =	shalt  }
0x51: {  	_ =	shalt  }
0x52: {  	_ =	shalt  }
0x53: {  	_ =	shalt  }
0x54: {  	_ =	shalt  }
0x55: {  	_ =	shalt  }
0x56: {  	_ =	shalt  }
0x57: {  	_ =	shalt  }
0x58: {  	_ =	shalt  }
0x59: {  	_ =	shalt  }
0x5a: {  	_ =	shalt  }
0x5b: {  	_ =	shalt  }
0x5c: {  	_ =	shalt  }
0x5d: {  	_ =	shalt  }
0x5e: {  	_ =	shalt  }
0x5f: {  	_ =	shalt  }
0x60: {  	_ =	shalt  }
0x61: {  	_ =	shalt  }
0x62: {  	_ =	shalt  }
0x63: {  	_ =	shalt  }
0x64: {  	_ =	shalt  }
0x65: {  	_ =	shalt  }
0x66: {  	_ =	shalt  }
0x67: {  	_ =	shalt  }
0x68: {  	_ =	shalt  }
0x69: {  	_ =	shalt  }
0x6a: {  	_ =	shalt  }
0x6b: {  	_ =	shalt  }
0x6c: {  	_ =	shalt  }
0x6d: {  	_ =	shalt  }
0x6e: {  	_ =	shalt  }
0x6f: {  	_ =	shalt  }
0x70: {  	_ =	shalt  }
0x71: {  	_ =	shalt  }
0x72: {  	_ =	shalt  }
0x73: {  	_ =	shalt  }
0x74: {  	_ =	shalt  }
0x75: {  	_ =	shalt  }
0x76: {  	_ =	shalt  }
0x77: {  	_ =	shalt  }
0x78: {  	_ =	shalt  }
0x79: {  	_ =	shalt  }
0x7a: {  	_ =	shalt  }
0x7b: {  	_ =	shalt  }
0x7c: {  	_ =	shalt  }
0x7d: {  	_ =	shalt  }
0x7e: {  	_ =	shalt  }
0x7f: {  	_ =	shalt  }
0x80: {  	_ =	shalt  }
0x81: {  	_ =	shalt  }
0x82: {  	_ =	shalt  }
0x83: {  	_ =	shalt  }
0x84: {  	_ =	shalt  }
0x85: {  	_ =	shalt  }
0x86: {  	_ =	shalt  }
0x87: {  	_ =	shalt  }
.Lfunc_end0:
.L_simem_size_0:
called_computation_lowered:
.L_overlay_start_0:
0x88: {  	s0 =	sld [smem:$0x3FD9]  }
0x89: {  	s1 =	sld [smem:$0x3FFE];
	_ =	sdelay $0x3  }
0x8a: {  	s0 =	sadd.s32 s1, s0  }
0x8b: {  	[smem:$0x3FC3] =	sst s0  }
0x8c: {  	_ = 	snop  }
0x8d: {  	s0 =	sld [smem:$0x3FC6]  }
0x8e: {  	s16 =	sld [smem:$0x3FC5]  }
0x8f: {  	s2 =	sld [smem:$0x3FD0];
	(tm) =	ssettm $0x1  }
0x90: {  	s3 =	sld [smem:$0x3FFB];
	_ =	sdelay $0x3  }
0x91: {  	_ =	strace s3  }
0x92: {  	s3 =	sld [smem:$0x3FFC];
	_ =	sdelay $0x3  }
0x93: {  	_ =	strace s3  }
0x94: {  	s3 =	sld [smem:$0x3FFD];
	_ =	sdelay $0x3  }
0x95: {  	_ =	strace s3  }
0x96: {  	_ =	strace $0x8FFFFFFF  }
0x97: {  	s17 =	sld [smem:$0x3FDB];
	_ =	sdelay $0x1  }
0x98: {  	s4 =	simm.s32 $_scs_section_size  }
0x99: {  	s5 =	simm.s32 $_size__tile_overlayer_lowered;
	s6 =	simm.s32 $_tile_overlayer_lowered  }
0x9a: {  	s20 =	simm.s32 $0x1BFF;
	s19 =	sshll.u32 s6, $0x1;
	s3 =	sadd.s32 s4, s17  }
0x9b: {  	s7 =	simm.s32 $0x0;
	s18 =	sshll.u32 s5, $0x1;
	s5 =	sadd.s32 s19, s3  }
0x9c: {  	[timem:s7], [sflag:s20] =	dma.local [hbm:s5], s18  }
0x9d: {  	_ =	swait.ge [sflag:s20], s18  }
0x9e: {  	s4 =	ssub.s32 $0x0, s18;
	[sflag:s20] =	ssyncset.done $0x0  }
0x9f: {  	[sflag:s20] =	ssyncadd.s32 s4;
	_ =	sdelay $0x1  }
0xa0: {  	s21 =	simm.s32 $0x1B8B  }
0xa1: {  	_ =	swait.ge [sflag:s21], $0x1  }
0xa2: {  	[sflag:s21] =	ssyncset.done $0x0  }
0xa3: {  	s23 =	simm.s32 $0x1B8E;
	s22 =	sld [smem:$0x3FFE];
	[sflag:s21] =	ssyncadd.s32 $0xFFFFFFFF  }
0xa4: {  	s24 =	simm.s32 $execute0_lowered;
	[smem:$0x3FD2] =	sst s23  }
0xa5: {  	s5 =	sshll.u32 s24, $0x1;
	_ =	strace $0x80000046;
	[dreg:$0x1] =	wrdreg $0xFFFFFFFF  }
0xa6: {  	s25 =	simm.s32 $_size_execute0_lowered;
	s3 =	sadd.s32 s3, s5;
	[dreg:$0x0] =	wrdreg $0x0  }
0xa7: {  	s5 =	sshll.u32 s25, $0x1;
	[dreg:$0x2] =	wrdreg s3  }
0xa8: {  	[dreg:$0x3] =	wrdreg s5  }
0xa9: {  	[dreg:$0x4] =	wrdreg $0xC0  }
0xaa: {  	_ =	task [dreg:s7], $0x5FFFF  }
0xab: {  	[dreg:$0x1] =	wrdreg $0xFFFFFFFF  }
0xac: {  	[dreg:$0x0] =	wrdreg $0x60  }
0xad: {  	[dreg:$0x2] =	wrdreg s0  }
0xae: {  	[dreg:$0x3] =	wrdreg s16  }
0xaf: {  	[dreg:$0x4] =	wrdreg s2  }
0xb0: {  	[dreg:$0x5] =	wrdreg s22  }
0xb1: {  	[dreg:$0x6] =	wrdreg $0x9  }
0xb2: {  	_ =	task.clear_ibuf [dreg:s7], $0x7FFFF;
	_ =	strace $0x90000046  }
0xb3: {  	s26 =	simm.s32 $0x9;
	_ =	strace $0x80000048  }
0xb4: {  	_ =	swait.ge [sflag:s26], $0x1  }
0xb5: {  	[sflag:s26] =	ssyncadd.s32 $0xFFFFFFFF  }
0xb6: {  	_ =	strace $0x90000048  }
0xb7: {  	_ =	sfence  }
0xb8: {  	s28 =	sld [smem:$0x0];
	_ =	sdelay $0x1  }
0xb9: {  	s29 =	srdreg.scid  }
0xba: {  	s30 =	sshll.u32 s29, $0xD;
	s31 =	sshrl.u32 s29, $0x2  }
0xbb: {  	s1 =	sand.u32 $0x1, s29;
	s2 =	sand.u32 $0x4000, s30;
	s0 =	sadd.s32 s31, s28  }
0xbc: {  	s1 =	sor.u32 s2, s1;
	s0 =	sshll.u32 s0, $0x11  }
0xbd: {  	s0 =	sor.u32 s0, s1  }
0xbe: {  	s0 =	sadd.s32 $0x8F2B, s0  }
0xbf: {  	[sflag:s0] =	ssyncadd.remote.s32 $0x1  }
0xc0: {  	_ =	sfence.sel $0xFFFF  }
0xc1: {  	[dreg:$0x0] =	wrdreg $0xFFFFFFFF;
	(pc) =	sbr.abs _section_cstart, $3  }
0xc2: {  	[dreg:$0x1] =	wrdreg $0xFFFFFFFF  }
0xc3: {  	_ =	task.clear_ibuf [dreg:s7], $0x2FFFF;
	_ =	strace $0x9FFFFFFF  }
0xc4: {  	(tm) =	ssettm $0x7FFFFFFF  }
0xc5: {  	_ =	shalt  }
tec
execute0_lowered:
.L_overlay_start_1:
0x0: {  	(tag) =	ssettag $0x1  }
0x1: {  	s3 =	rddreg [dreg:$0x0]  }
0x2: {  	s1 =	rddreg [dreg:$0x1]  }
0x3: {  	s5 =	rddreg [dreg:$0x2]  }
0x4: {  	s4 =	rddreg [dreg:$0x3];
	s2 =	stileid.u32  }
0x5: {  	s0 =	rddreg [dreg:$0x4];
	_ =	strace $0x80000047;
	p0 =	sne.s32 s2, $0x0  }
0x6: {  	_ =	sfence.sel @p0 $0x180000  }
0x7: {  	[bflag:$0x0] =	sbarrier.arrive @p0 $0xFFFF  }
0x8: {  	_ =	strace @p0 $0x90000047  }
0x9: {  	[bflag:$0x2] =	sbarrier.arrive @p0 $0xFFFF  }
0xa: {  	_ =	shalt @p0  }
.LBB2_1:
0xb: {  	s2 =	simm.s32 $0x0;
	s6 =	simm.s32 $0x1  }
0xc: {  	[tilespmem:s2], [sflag:$0x1] =	stream.linear.gather [hbm4b:s3+s2], $0x800, $0x38;
	[tilespmem:$0x4880] =	vst v63  }
0xd: {  	_ =	swait.ge [sflag:s6], $0x800  }
0xe: {  	[sflag:s6] =	ssyncset.done $0x0  }
0xf: {  	s3 =	simm.s32 $0x800;
	[sflag:s6] =	ssyncadd.s32 $0xFFFFF800  }
0x10: {  	[tilespmem:s3], [sflag:$0x1] =	stream.linear.gather [hbm4b:s1+s2], $0x80, $0x38;
	[tilespmem:$0x4880] =	vst v63  }
0x11: {  	s30 =	simm.s32 $0x0;
	_ =	swait.ge [sflag:s6], $0x80  }
0x12: {  	v0 =	vmov s30;
	[sflag:s6] =	ssyncset.done $0x0  }
0x13: {  	v0 =	vbroadcast v0, $0x0;
	s1 =	simm.s32 $0x880;
	[sflag:s6] =	ssyncadd.s32 $0xFFFFFF80  }
0x14: {  	[tilespmem:s1], [sflag:$0x1] =	stream.linear.gather [hbm4b:s5+s2], $0x4000, $0x38;
	[tilespmem:$0x4880] =	vst v63  }
0x15: {  	_ =	swait.ge [sflag:s6], $0x4000  }
0x16: {  	[sflag:s6] =	ssyncset.done $0x0  }
0x17: {  	[sflag:s6] =	ssyncadd.s32 $0xFFFFC000  }
0x18: {  	v1 =	vld [tilespmem:s2+$0x0]  }
0x19: {  	v2 =	vld.idx.msk [tilespmem:v0+s3+$0x0], $0xffff;
	_ =	sdelay $0x3  }
0x1a: {  	v0 =	vlaneseq.u32;
	v3 =	vshll.u32 v1, $0x7  }
0x1b: {  	s31 =	sand.u32 $0x30, s2;
	v4 =	vshll.u32 v2, $0x6;
	v1 =	vshll.u32 v1, $0x9;
	v2 =	vshll.u32 v2, $0x9  }
0x1c: {  	v4 =	vor.u32 s31, v4;
	v1 =	vand.u32 $0xFFFFF000, v1;
	v2 =	vand.u32 $0xFFFFFC00, v2  }
0x1d: {  	s4 =	sadd.s32 $0xE00, s4;
	v3 =	vand.u32 $0x380, v3;
	v4 =	vor.u32 v0, v4;
	v5 =	vadd.s32 v1, v2  }
0x1e: {  	s7 =	simm.s32 $0x0;
	s5 =	simm.s32 $0x0;
	s6 =	simm.s32 $0x2;
	v1 =	vimm.f32 $1.000000000e+00;
	v2 =	vand.u32 $0x7F, v4;
	v3 =	vor.u32 v3, v5  }
.LBB2_2:
0x1f: {  	p0 =	sne.s32 s6, $0x7F;
	v4 =	vmov s7;
	v2 =	vor.u32 v2, v3  }
0x20: {  	v3 =	vbroadcast v4, $0x0;
	_ =	sdelay $0x3  }
0x21: {  	s2 =	sadd.s32 $0x10, s2;
	[tilespmem:v2+s1+$0x0] =	vst.idx.add.f32.msk $0xffff, v1  }
0x22: {  	v2 =	vld [tilespmem:s2+$0x0]  }
0x23: {  	v3 =	vld.idx.msk [tilespmem:v3+s3+$0x0], $0xffff;
	_ =	sdelay $0x4  }
.Ltmp0:
0x24: {  	s5 =	sadd.s32 $0x10, s5;
	v4 =	vshll.u32 v2, $0x7;
	(pc) =	sbr.rel @p0 .LBB2_2-.Ltmp0, $4  }
0x25: {  	s7 =	sand.u32 $0x30, s5;
	v2 =	vshll.u32 v2, $0x9;
	v5 =	vshll.u32 v3, $0x6;
	v3 =	vshll.u32 v3, $0x9  }
0x26: {  	v2 =	vand.u32 $0xFFFFF000, v2;
	v5 =	vor.u32 s7, v5;
	v3 =	vand.u32 $0xFFFFFC00, v3  }
0x27: {  	v4 =	vand.u32 $0x380, v4;
	v5 =	vor.u32 v0, v5;
	v3 =	vadd.s32 v2, v3  }
0x28: {  	s7 =	sshrl.u32 s6, $0x2;
	s6 =	sadd.s32 $0x1, s6;
	v2 =	vand.u32 $0x7F, v5;
	v3 =	vor.u32 v4, v3  }
0x29: {  	v4 =	vmov s7;
	v2 =	vor.u32 v2, v3  }
0x2a: {  	v61 =	vbroadcast v4, $0x0;
	_ =	sdelay $0x3  }
0x2b: {  	s2 =	sadd.s32 $0x10, s2;
	[tilespmem:v2+s1+$0x0] =	vst.idx.add.f32.msk $0xffff, v1  }
0x2c: {  	v2 =	vld [tilespmem:s2+$0x0]  }
0x2d: {  	v3 =	vld.idx.msk [tilespmem:v61+s3+$0x0], $0xffff;
	_ =	sdelay $0x3  }
0x2e: {  	s28 =	sadd.s32 $0x10, s5;
	v62 =	vshll.u32 v2, $0x7  }
0x2f: {  	s2 =	sand.u32 $0x30, s28;
	v2 =	vshll.u32 v2, $0x9;
	v5 =	vshll.u32 v3, $0x6;
	v3 =	vshll.u32 v3, $0x9  }
0x30: {  	v2 =	vand.u32 $0xFFFFF000, v2;
	v5 =	vor.u32 s2, v5;
	v3 =	vand.u32 $0xFFFFFC00, v3  }
0x31: {  	v63 =	vand.u32 $0x380, v62;
	v0 =	vor.u32 v0, v5;
	v2 =	vadd.s32 v2, v3  }
0x32: {  	v0 =	vand.u32 $0x7F, v0;
	v2 =	vor.u32 v63, v2  }
0x33: {  	v0 =	vor.u32 v0, v2;
	_ =	sdelay $0x4  }
0x34: {  	s29 =	simm.s32 $0x0;
	s30 =	simm.s32 $0x880;
	s31 =	simm.s32 $0x1;
	[tilespmem:v0+s1+$0x0] =	vst.idx.add.f32.msk $0xffff, v1  }
0x35: {  	[hbm4b:s4+s29] =	stream.linear.scatter [tilespmem:s30], [sflag:$0x1], $0x4000, $0x38;
	[tilespmem:$0x4880] =	vst v63  }
0x36: {  	_ =	swait.ge [sflag:s31], $0x4000  }
0x37: {  	[sflag:s31] =	ssyncset.done $0x0  }
0x38: {  	[sflag:s31] =	ssyncadd.s32 $0xFFFFC000  }
0x39: {  	_ =	sfence.sel $0x180000  }
0x3a: {  	[bflag:$0x0] =	sbarrier.arrive $0xFFFF  }
0x3b: {  	_ =	strace $0x90000047  }
0x3c: {  	s0 =	sadd.s32 $0x100000, s0;
	[bflag:$0x2] =	sbarrier.arrive $0xFFFF  }
0x3d: {  	[sflag:s0] =	ssyncadd.tile.s32 $0x1;
	_ =	shalt  }
.Lfunc_end2:
_tile_overlayer_lowered:
.L_overlay_start_2:
0x3e: {  	(tag) =	ssettag $0x2  }
0x3f: {  	s0 =	rddreg [dreg:$0x0];
	s2 =	stileid.u32  }
0x40: {  	s1 =	rddreg [dreg:$0x1];
	p0 =	sne.s32 s2, $0x0  }
0x41: {  	s3 =	rddreg [dreg:$0x2];
	[bflag:$0x3] =	sbarrier.arrive $0xFFFF;
	s2 =	simm.s32 @!p0 $0x1C01  }
0x42: {  	[timem:s3], [sflag:s2] =	dma.local @!p0 [hbm:s0], s1  }
0x43: {  	s0 =	simm.s32 @!p0 $0x1  }
0x44: {  	_ =	swait.ge @!p0 [sflag:s0], s1  }
0x45: {  	s1 =	ssub.s32 @!p0 $0x0, s1;
	[sflag:s0] =	ssyncset.done @!p0 $0x0  }
0x46: {  	[sflag:s0] =	ssyncadd.s32 @!p0 s1  }
0x47: {  	[bflag:$0x3] =	sbarrier.arrive $0xFFFF  }
0x48: {  	_ =	shalt  }

</sc_bundles>
